<compile_context>
chip_gen: v7x
topology: tpu7x:2x2x1
jax: 0.10.2.dev20260603
libtpu: 0.0.44.dev20260713+nightly
codegen_flags: <defaults>
</compile_context>

<pallas_src>
import functools

import jax
import jax.numpy as jnp
from jax import lax
from jax.experimental import pallas as pl
from jax.experimental.pallas import tpu as pltpu
from jax.experimental.pallas import tpu_sc as plsc

NUM_SPEAKERS = 100000
EMBED_DIM = 64
BATCH = 16384

NUM_CORES = 2
NUM_SUBCORES = 16
NUM_WORKERS = NUM_CORES * NUM_SUBCORES
ROWS_PER_W = EMBED_DIM // NUM_WORKERS
LANES = 16
BCHUNK = 2048
NCHUNK = BATCH // BCHUNK


def _make_gather():
    mesh = plsc.VectorSubcoreMesh(core_axis_name="c", subcore_axis_name="s")

    @functools.partial(
        pl.kernel,
        mesh=mesh,
        out_type=jax.ShapeDtypeStruct((EMBED_DIM, BATCH), jnp.float32),
        scratch_types=[
            pltpu.VMEM((NUM_SPEAKERS,), jnp.float32),
            pltpu.VMEM((2 * BCHUNK,), jnp.int32),
            pltpu.VMEM((2 * BCHUNK,), jnp.float32),
            pltpu.SemaphoreType.DMA,
            [pltpu.SemaphoreType.DMA] * 2,
            [pltpu.SemaphoreType.DMA] * 2,
        ],
        compiler_params=pltpu.CompilerParams(
            use_tc_tiling_on_sc=False, needs_layout_passes=False
        ),
    )
    def gather(t2d_hbm, idx_hbm, out_hbm, row_v, idx_v, outc_v,
               rsem, isems, osems):
        wid = lax.axis_index("s") * NUM_CORES + lax.axis_index("c")

        def slot(r):
            return pl.ds(r * BCHUNK, BCHUNK)

        def fire_idx(c, r):
            return pltpu.async_copy(
                idx_hbm.at[pl.ds(c * BCHUNK, BCHUNK)], idx_v.at[slot(r)],
                isems[r],
            )

        def wait_idx(c, r):
            pltpu.make_async_copy(
                idx_hbm.at[pl.ds(c * BCHUNK, BCHUNK)], idx_v.at[slot(r)],
                isems[r],
            ).wait()

        def wait_out(d, c, r):
            pltpu.make_async_copy(
                outc_v.at[slot(r)],
                out_hbm.at[d, pl.ds(c * BCHUNK, BCHUNK)],
                osems[r],
            ).wait()

        fire_idx(0, 0)
        fire_idx(1, 1)

        def do_row(i, carry):
            d = wid * ROWS_PER_W + i
            pltpu.async_copy(t2d_hbm.at[d], row_v, rsem).wait()

            def do_chunk(c, r):
                @pl.when(c > 1)
                def _():
                    wait_out(d, c - 2, r)

                wait_idx(c, r)

                def gather16(j, carry3):
                    for u in range(4):
                        o = (j * 4 + u) * LANES
                        iv = idx_v[pl.ds(r * BCHUNK + o, LANES)]
                        v = plsc.load_gather(row_v, [iv])
                        outc_v[pl.ds(r * BCHUNK + o, LANES)] = v
                    return carry3

                lax.fori_loop(0, BCHUNK // LANES // 4, gather16, 0)

                pltpu.async_copy(
                    outc_v.at[slot(r)],
                    out_hbm.at[d, pl.ds(c * BCHUNK, BCHUNK)],
                    osems[r],
                )

                nxt = c + 2
                is_last_row = i == ROWS_PER_W - 1

                @pl.when(jnp.logical_or(nxt < NCHUNK,
                                        jnp.logical_not(is_last_row)))
                def _():
                    fire_idx(lax.rem(nxt, NCHUNK), r)

            def do_chunk_pair(kk, carry2):
                do_chunk(kk * 2, 0)
                do_chunk(kk * 2 + 1, 1)
                return carry2

            lax.fori_loop(0, NCHUNK // 2, do_chunk_pair, 0)

            wait_out(d, NCHUNK - 2, 0)
            wait_out(d, NCHUNK - 1, 1)
            return carry

        lax.fori_loop(0, ROWS_PER_W, do_row, 0)

    return gather


_gather = _make_gather()


@jax.jit
def kernel(table, spk_id):
    out_t = _gather(table.T, spk_id.astype(jnp.int32))
    return out_t.T[:, :, None]

# --- scband reference (transcript-rebuilt; emitter-appended) ---
"""Pipeline reference for scband-speaker-embedding-2095944041134 (READ-ONLY COPY).

The authoritative reference and input builder live on the scoring server;
editing this copy changes nothing except your own understanding.
"""

import jax, jax.numpy as jnp
import numpy as np

NUM_SPEAKERS = 100000
EMBED_DIM = 64
BATCH = 16384

def setup_inputs(seed: int = 0) -> dict:
    key = jax.random.key(seed)
    k1, k2 = jax.random.split(key)
    spk_id = jax.random.randint(k1, (BATCH,), 0, NUM_SPEAKERS, dtype=jnp.int64 if jax.config.jax_enable_x64 else jnp.int32)
    table = jax.random.normal(k2, (NUM_SPEAKERS, EMBED_DIM), dtype=jnp.float32)
    return {"table": table, "spk_id": spk_id}

def reference(table, spk_id):
    # e = self.embedding(spk_id)  -> gather rows
    e = jnp.take(table, spk_id, axis=0)  # [B, D]
    # e = e.unsqueeze(2)          -> add trailing dim at axis 2
    e = jnp.expand_dims(e, axis=2)       # [B, D, 1]
    return e

if __name__ == "__main__":
    import jax
    _d = setup_inputs()
    print(jax.jit(kernel)(*tuple(_d.values())))

</pallas_src>

<mosaic_0001>
#map = affine_map<(d0, d1) -> (0, 0)>
#map1 = affine_map<(d0, d1) -> (0)>
module attributes {stable_mosaic.version = 14 : i64} {
  func.func @gather(%arg0: i32, %arg1: i32, %arg2: memref<64x100000xf32, #tpu.memory_space<hbm>>, %arg3: memref<16384xi32, #tpu.memory_space<hbm>>, %arg4: memref<64x16384xf32, #tpu.memory_space<hbm>>, %arg5: memref<100000xf32, #tpu.memory_space<vmem>>, %arg6: memref<4096xi32, #tpu.memory_space<vmem>>, %arg7: memref<4096xf32, #tpu.memory_space<vmem>>, %arg8: memref<!tpu.dma_semaphore, #tpu.memory_space<semaphore_mem>>, %arg9: memref<!tpu.dma_semaphore, #tpu.memory_space<semaphore_mem>>, %arg10: memref<!tpu.dma_semaphore, #tpu.memory_space<semaphore_mem>>, %arg11: memref<!tpu.dma_semaphore, #tpu.memory_space<semaphore_mem>>, %arg12: memref<!tpu.dma_semaphore, #tpu.memory_space<semaphore_mem>>) attributes {dimension_semantics = [#tpu.dimension_semantics<core_parallel>, #tpu.dimension_semantics<subcore_parallel>], iteration_bounds = array<i64: 2, 16>, scalar_prefetch = 0 : i64, scratch_operands = 8 : i64, tpu.core_type = #tpu.core_type<sc_vector_subcore>, window_params = [{transform_indices = #map}, {transform_indices = #map1}, {transform_indices = #map}]} {
    %mul3A = arith.constant 2 : i32
    %mul3A_0 = arith.muli %arg1, %mul3A : i32
    %add3A = arith.addi %mul3A_0, %arg0 : i32
    %dma_start3A = arith.constant 0 : i32
    %dma_start3A_1 = tpu.memref_slice %arg6[%dma_start3A] : memref<4096xi32, #tpu.memory_space<vmem>> -> memref<2048xi32, #tpu.memory_space<vmem>>
    %dma_start3A_2 = arith.constant 0 : i32
    %dma_start3A_3 = tpu.memref_slice %arg3[%dma_start3A_2] : memref<16384xi32, #tpu.memory_space<hbm>> -> memref<2048xi32, #tpu.memory_space<hbm>>
    %dma_start3A_4 = arith.constant 0 : i32
    %dma_start3A_5 = tpu.memref_slice %arg6[%dma_start3A_4] : memref<4096xi32, #tpu.memory_space<vmem>> -> memref<2048xi32, #tpu.memory_space<vmem>>
    %dma_start3A_6 = arith.constant 0 : i32
    %dma_start3A_7 = tpu.memref_slice %arg3[%dma_start3A_6] : memref<16384xi32, #tpu.memory_space<hbm>> -> memref<2048xi32, #tpu.memory_space<hbm>>
    tpu.enqueue_dma source(%dma_start3A_7 : memref<2048xi32, #tpu.memory_space<hbm>>) target(%dma_start3A_5 : memref<2048xi32, #tpu.memory_space<vmem>>) target_semaphore(%arg9 : memref<!tpu.dma_semaphore, #tpu.memory_space<semaphore_mem>>)
    %dma_start3A_8 = arith.constant 2048 : i32
    %dma_start3A_9 = tpu.memref_slice %arg6[%dma_start3A_8] : memref<4096xi32, #tpu.memory_space<vmem>> -> memref<2048xi32, #tpu.memory_space<vmem>>
    %dma_start3A_10 = arith.constant 2048 : i32
    %dma_start3A_11 = tpu.memref_slice %arg3[%dma_start3A_10] : memref<16384xi32, #tpu.memory_space<hbm>> -> memref<2048xi32, #tpu.memory_space<hbm>>
    %dma_start3A_12 = arith.constant 2048 : i32
    %dma_start3A_13 = tpu.memref_slice %arg6[%dma_start3A_12] : memref<4096xi32, #tpu.memory_space<vmem>> -> memref<2048xi32, #tpu.memory_space<vmem>>
    %dma_start3A_14 = arith.constant 2048 : i32
    %dma_start3A_15 = tpu.memref_slice %arg3[%dma_start3A_14] : memref<16384xi32, #tpu.memory_space<hbm>> -> memref<2048xi32, #tpu.memory_space<hbm>>
    tpu.enqueue_dma source(%dma_start3A_15 : memref<2048xi32, #tpu.memory_space<hbm>>) target(%dma_start3A_13 : memref<2048xi32, #tpu.memory_space<vmem>>) target_semaphore(%arg10 : memref<!tpu.dma_semaphore, #tpu.memory_space<semaphore_mem>>)
    %scan3A = arith.constant 0 : i32
    %scan3A_16 = arith.constant 0 : i32
    %scan3A_17 = arith.constant 2 : i32
    %scan3A_18 = arith.addi %scan3A_16, %scan3A_17 : i32
    %scan3A_19 = arith.constant 1 : i32
    scf.for %scan3A_21 = %scan3A_16 to %scan3A_18 step %scan3A_19  : i32 {
      %mul3A_22 = arith.constant 2 : i32
      %mul3A_23 = arith.muli %add3A, %mul3A_22 : i32
      %add3A_24 = arith.addi %mul3A_23, %scan3A_21 : i32
      %dma_start3A_25 = arith.constant 0 : i32
      %dma_start3A_26 = tpu.memref_slice %arg2[%add3A_24, %dma_start3A_25] : memref<64x100000xf32, #tpu.memory_space<hbm>> -> memref<1x100000xf32, #tpu.memory_space<hbm>>
      %dma_start3A_27 = tpu.memref_squeeze %dma_start3A_26 : memref<1x100000xf32, #tpu.memory_space<hbm>> -> memref<100000xf32, #tpu.memory_space<hbm>>
      %dma_start3A_28 = arith.constant 0 : i32
      %dma_start3A_29 = tpu.memref_slice %arg2[%add3A_24, %dma_start3A_28] : memref<64x100000xf32, #tpu.memory_space<hbm>> -> memref<1x100000xf32, #tpu.memory_space<hbm>>
      %dma_start3A_30 = tpu.memref_squeeze %dma_start3A_29 : memref<1x100000xf32, #tpu.memory_space<hbm>> -> memref<100000xf32, #tpu.memory_space<hbm>>
      tpu.enqueue_dma source(%dma_start3A_30 : memref<100000xf32, #tpu.memory_space<hbm>>) target(%arg5 : memref<100000xf32, #tpu.memory_space<vmem>>) target_semaphore(%arg8 : memref<!tpu.dma_semaphore, #tpu.memory_space<semaphore_mem>>)
      %dma_wait3A = arith.constant 0 : i32
      %dma_wait3A_31 = tpu.memref_slice %arg2[%add3A_24, %dma_wait3A] : memref<64x100000xf32, #tpu.memory_space<hbm>> -> memref<1x100000xf32, #tpu.memory_space<hbm>>
      %dma_wait3A_32 = tpu.memref_squeeze %dma_wait3A_31 : memref<1x100000xf32, #tpu.memory_space<hbm>> -> memref<100000xf32, #tpu.memory_space<hbm>>
      %dma_wait3A_33 = arith.constant 0 : i32
      %dma_wait3A_34 = tpu.memref_slice %arg2[%add3A_24, %dma_wait3A_33] : memref<64x100000xf32, #tpu.memory_space<hbm>> -> memref<1x100000xf32, #tpu.memory_space<hbm>>
      %dma_wait3A_35 = tpu.memref_squeeze %dma_wait3A_34 : memref<1x100000xf32, #tpu.memory_space<hbm>> -> memref<100000xf32, #tpu.memory_space<hbm>>
      tpu.wait_dma2 semaphore(%arg8 : memref<!tpu.dma_semaphore, #tpu.memory_space<semaphore_mem>>) src(%dma_wait3A_35 : memref<100000xf32, #tpu.memory_space<hbm>>) dst(%arg5 : memref<100000xf32, #tpu.memory_space<vmem>>)
      %scan3A_36 = arith.constant 0 : i32
      %scan3A_37 = arith.constant 0 : i32
      %scan3A_38 = arith.constant 4 : i32
      %scan3A_39 = arith.addi %scan3A_37, %scan3A_38 : i32
      %scan3A_40 = arith.constant 1 : i32
      scf.for %scan3A_62 = %scan3A_37 to %scan3A_39 step %scan3A_40  : i32 {
        %mul3A_63 = arith.constant 2 : i32
        %mul3A_64 = arith.muli %scan3A_62, %mul3A_63 : i32
        %gt3A = arith.constant 1 : i32
        %gt3A_65 = arith.cmpi sgt, %mul3A_64, %gt3A : i32
        %convert_element_type3A = arith.extui %gt3A_65 : i1 to i32
        %cond3A = arith.constant 0 : i32
        %cond3A_66 = arith.cmpi ne, %convert_element_type3A, %cond3A : i32
        scf.if %cond3A_66 {
          %sub3A = arith.constant 2 : i32
          %sub3A_144 = arith.subi %mul3A_64, %sub3A : i32
          %mul3A_145 = arith.constant 2048 : i32
          %mul3A_146 = arith.muli %sub3A_144, %mul3A_145 : i32
          %dma_wait3A_147 = arith.constant 0 : i32
          %dma_wait3A_148 = tpu.memref_slice %arg7[%dma_wait3A_147] : memref<4096xf32, #tpu.memory_space<vmem>> -> memref<2048xf32, #tpu.memory_space<vmem>>
          %dma_wait3A_149 = tpu.memref_slice %arg4[%add3A_24, %mul3A_146] : memref<64x16384xf32, #tpu.memory_space<hbm>> -> memref<1x2048xf32, #tpu.memory_space<hbm>>
          %dma_wait3A_150 = tpu.memref_squeeze %dma_wait3A_149 : memref<1x2048xf32, #tpu.memory_space<hbm>> -> memref<2048xf32, #tpu.memory_space<hbm>>
          %dma_wait3A_151 = tpu.memref_slice %arg4[%add3A_24, %mul3A_146] : memref<64x16384xf32, #tpu.memory_space<hbm>> -> memref<1x2048xf32, #tpu.memory_space<hbm>>
          %dma_wait3A_152 = tpu.memref_squeeze %dma_wait3A_151 : memref<1x2048xf32, #tpu.memory_space<hbm>> -> memref<2048xf32, #tpu.memory_space<hbm>>
          %dma_wait3A_153 = arith.constant 0 : i32
          %dma_wait3A_154 = tpu.memref_slice %arg7[%dma_wait3A_153] : memref<4096xf32, #tpu.memory_space<vmem>> -> memref<2048xf32, #tpu.memory_space<vmem>>
          tpu.wait_dma2 semaphore(%arg11 : memref<!tpu.dma_semaphore, #tpu.memory_space<semaphore_mem>>) src(%dma_wait3A_154 : memref<2048xf32, #tpu.memory_space<vmem>>) dst(%dma_wait3A_152 : memref<2048xf32, #tpu.memory_space<hbm>>)
        } else {
        }
        %mul3A_67 = arith.constant 2048 : i32
        %mul3A_68 = arith.muli %mul3A_64, %mul3A_67 : i32
        %dma_wait3A_69 = arith.constant 0 : i32
        %dma_wait3A_70 = tpu.memref_slice %arg6[%dma_wait3A_69] : memref<4096xi32, #tpu.memory_space<vmem>> -> memref<2048xi32, #tpu.memory_space<vmem>>
        %dma_wait3A_71 = tpu.memref_slice %arg3[%mul3A_68] : memref<16384xi32, #tpu.memory_space<hbm>> -> memref<2048xi32, #tpu.memory_space<hbm>>
        %dma_wait3A_72 = arith.constant 0 : i32
        %dma_wait3A_73 = tpu.memref_slice %arg6[%dma_wait3A_72] : memref<4096xi32, #tpu.memory_space<vmem>> -> memref<2048xi32, #tpu.memory_space<vmem>>
        %dma_wait3A_74 = tpu.memref_slice %arg3[%mul3A_68] : memref<16384xi32, #tpu.memory_space<hbm>> -> memref<2048xi32, #tpu.memory_space<hbm>>
        tpu.wait_dma2 semaphore(%arg9 : memref<!tpu.dma_semaphore, #tpu.memory_space<semaphore_mem>>) src(%dma_wait3A_74 : memref<2048xi32, #tpu.memory_space<hbm>>) dst(%dma_wait3A_73 : memref<2048xi32, #tpu.memory_space<vmem>>)
        %scan3A_75 = arith.constant 0 : i32
        %scan3A_76 = arith.constant 0 : i32
        %scan3A_77 = arith.constant 32 : i32
        %scan3A_78 = arith.addi %scan3A_76, %scan3A_77 : i32
        %scan3A_79 = arith.constant 1 : i32
        scf.for %scan3A_144 = %scan3A_76 to %scan3A_78 step %scan3A_79  : i32 {
          %mul3A_145 = arith.constant 4 : i32
          %mul3A_146 = arith.muli %scan3A_144, %mul3A_145 : i32
          %add3A_147 = arith.constant 0 : i32
          %add3A_148 = arith.addi %mul3A_146, %add3A_147 : i32
          %mul3A_149 = arith.constant 16 : i32
          %mul3A_150 = arith.muli %add3A_148, %mul3A_149 : i32
          %add3A_151 = arith.constant 0 : i32
          %add3A_152 = arith.addi %add3A_151, %mul3A_150 : i32
          %get3A = arith.index_cast %add3A_152 : i32 to index
          %get3A_153 = tpu.vector_load %arg6[%get3A] {strides = array<i32>} : memref<4096xi32, #tpu.memory_space<vmem>>, vector<16xi32>,
          %gather3A = tpu.vector_load_idx %arg5[%get3A_153] : memref<100000xf32, #tpu.memory_space<vmem>>[vector<16xi32>], vector<16xf32>,
          %add3A_154 = arith.constant 0 : i32
          %add3A_155 = arith.addi %add3A_154, %mul3A_150 : i32
          %swap3A = arith.index_cast %add3A_155 : i32 to index
          %swap3A_156 = tpu.vector_load %arg7[%swap3A] {strides = array<i32>} : memref<4096xf32, #tpu.memory_space<vmem>>, vector<16xf32>,
          tpu.vector_store %arg7[%swap3A], %gather3A {strides = array<i32>} : memref<4096xf32, #tpu.memory_space<vmem>>, vector<16xf32>,
          %mul3A_157 = arith.constant 4 : i32
          %mul3A_158 = arith.muli %scan3A_144, %mul3A_157 : i32
          %add3A_159 = arith.constant 1 : i32
          %add3A_160 = arith.addi %mul3A_158, %add3A_159 : i32
          %mul3A_161 = arith.constant 16 : i32
          %mul3A_162 = arith.muli %add3A_160, %mul3A_161 : i32
          %add3A_163 = arith.constant 0 : i32
          %add3A_164 = arith.addi %add3A_163, %mul3A_162 : i32
          %get3A_165 = arith.index_cast %add3A_164 : i32 to index
          %get3A_166 = tpu.vector_load %arg6[%get3A_165] {strides = array<i32>} : memref<4096xi32, #tpu.memory_space<vmem>>, vector<16xi32>,
          %gather3A_167 = tpu.vector_load_idx %arg5[%get3A_166] : memref<100000xf32, #tpu.memory_space<vmem>>[vector<16xi32>], vector<16xf32>,
          %add3A_168 = arith.constant 0 : i32
          %add3A_169 = arith.addi %add3A_168, %mul3A_162 : i32
          %swap3A_170 = arith.index_cast %add3A_169 : i32 to index
          %swap3A_171 = tpu.vector_load %arg7[%swap3A_170] {strides = array<i32>} : memref<4096xf32, #tpu.memory_space<vmem>>, vector<16xf32>,
          tpu.vector_store %arg7[%swap3A_170], %gather3A_167 {strides = array<i32>} : memref<4096xf32, #tpu.memory_space<vmem>>, vector<16xf32>,
          %mul3A_172 = arith.constant 4 : i32
          %mul3A_173 = arith.muli %scan3A_144, %mul3A_172 : i32
          %add3A_174 = arith.constant 2 : i32
          %add3A_175 = arith.addi %mul3A_173, %add3A_174 : i32
          %mul3A_176 = arith.constant 16 : i32
          %mul3A_177 = arith.muli %add3A_175, %mul3A_176 : i32
          %add3A_178 = arith.constant 0 : i32
          %add3A_179 = arith.addi %add3A_178, %mul3A_177 : i32
          %get3A_180 = arith.index_cast %add3A_179 : i32 to index
          %get3A_181 = tpu.vector_load %arg6[%get3A_180] {strides = array<i32>} : memref<4096xi32, #tpu.memory_space<vmem>>, vector<16xi32>,
          %gather3A_182 = tpu.vector_load_idx %arg5[%get3A_181] : memref<100000xf32, #tpu.memory_space<vmem>>[vector<16xi32>], vector<16xf32>,
          %add3A_183 = arith.constant 0 : i32
          %add3A_184 = arith.addi %add3A_183, %mul3A_177 : i32
          %swap3A_185 = arith.index_cast %add3A_184 : i32 to index
          %swap3A_186 = tpu.vector_load %arg7[%swap3A_185] {strides = array<i32>} : memref<4096xf32, #tpu.memory_space<vmem>>, vector<16xf32>,
          tpu.vector_store %arg7[%swap3A_185], %gather3A_182 {strides = array<i32>} : memref<4096xf32, #tpu.memory_space<vmem>>, vector<16xf32>,
          %mul3A_187 = arith.constant 4 : i32
          %mul3A_188 = arith.muli %scan3A_144, %mul3A_187 : i32
          %add3A_189 = arith.constant 3 : i32
          %add3A_190 = arith.addi %mul3A_188, %add3A_189 : i32
          %mul3A_191 = arith.constant 16 : i32
          %mul3A_192 = arith.muli %add3A_190, %mul3A_191 : i32
          %add3A_193 = arith.constant 0 : i32
          %add3A_194 = arith.addi %add3A_193, %mul3A_192 : i32
          %get3A_195 = arith.index_cast %add3A_194 : i32 to index
          %get3A_196 = tpu.vector_load %arg6[%get3A_195] {strides = array<i32>} : memref<4096xi32, #tpu.memory_space<vmem>>, vector<16xi32>,
          %gather3A_197 = tpu.vector_load_idx %arg5[%get3A_196] : memref<100000xf32, #tpu.memory_space<vmem>>[vector<16xi32>], vector<16xf32>,
          %add3A_198 = arith.constant 0 : i32
          %add3A_199 = arith.addi %add3A_198, %mul3A_192 : i32
          %swap3A_200 = arith.index_cast %add3A_199 : i32 to index
          %swap3A_201 = tpu.vector_load %arg7[%swap3A_200] {strides = array<i32>} : memref<4096xf32, #tpu.memory_space<vmem>>, vector<16xf32>,
          tpu.vector_store %arg7[%swap3A_200], %gather3A_197 {strides = array<i32>} : memref<4096xf32, #tpu.memory_space<vmem>>, vector<16xf32>,
        }
        %scan3A_80 = arith.constant 32 : i32
        %mul3A_81 = arith.constant 2048 : i32
        %mul3A_82 = arith.muli %mul3A_64, %mul3A_81 : i32
        %dma_start3A_83 = arith.constant 0 : i32
        %dma_start3A_84 = tpu.memref_slice %arg7[%dma_start3A_83] : memref<4096xf32, #tpu.memory_space<vmem>> -> memref<2048xf32, #tpu.memory_space<vmem>>
        %dma_start3A_85 = tpu.memref_slice %arg4[%add3A_24, %mul3A_82] : memref<64x16384xf32, #tpu.memory_space<hbm>> -> memref<1x2048xf32, #tpu.memory_space<hbm>>
        %dma_start3A_86 = tpu.memref_squeeze %dma_start3A_85 : memref<1x2048xf32, #tpu.memory_space<hbm>> -> memref<2048xf32, #tpu.memory_space<hbm>>
        %dma_start3A_87 = tpu.memref_slice %arg4[%add3A_24, %mul3A_82] : memref<64x16384xf32, #tpu.memory_space<hbm>> -> memref<1x2048xf32, #tpu.memory_space<hbm>>
        %dma_start3A_88 = tpu.memref_squeeze %dma_start3A_87 : memref<1x2048xf32, #tpu.memory_space<hbm>> -> memref<2048xf32, #tpu.memory_space<hbm>>
        %dma_start3A_89 = arith.constant 0 : i32
        %dma_start3A_90 = tpu.memref_slice %arg7[%dma_start3A_89] : memref<4096xf32, #tpu.memory_space<vmem>> -> memref<2048xf32, #tpu.memory_space<vmem>>
        tpu.enqueue_dma source(%dma_start3A_90 : memref<2048xf32, #tpu.memory_space<vmem>>) target(%dma_start3A_88 : memref<2048xf32, #tpu.memory_space<hbm>>) target_semaphore(%arg11 : memref<!tpu.dma_semaphore, #tpu.memory_space<semaphore_mem>>)
        %add3A_91 = arith.constant 2 : i32
        %add3A_92 = arith.addi %mul3A_64, %add3A_91 : i32
        %eq3A = arith.constant 1 : i32
        %eq3A_93 = arith.cmpi eq, %scan3A_21, %eq3A : i32
        %lt3A = arith.constant 8 : i32
        %lt3A_94 = arith.cmpi slt, %add3A_92, %lt3A : i32
        %not3A = arith.constant true
        %not3A_95 = arith.xori %eq3A_93, %not3A : i1
        %or3A = arith.ori %lt3A_94, %not3A_95 : i1
        %convert_element_type3A_96 = arith.extui %or3A : i1 to i32
        %cond3A_97 = arith.constant 0 : i32
        %cond3A_98 = arith.cmpi ne, %convert_element_type3A_96, %cond3A_97 : i32
        scf.if %cond3A_98 {
          %rem3A = arith.constant 8 : i32
          %rem3A_144 = arith.remsi %add3A_92, %rem3A : i32
          %mul3A_145 = arith.constant 2048 : i32
          %mul3A_146 = arith.muli %rem3A_144, %mul3A_145 : i32
          %dma_start3A_147 = arith.constant 0 : i32
          %dma_start3A_148 = tpu.memref_slice %arg6[%dma_start3A_147] : memref<4096xi32, #tpu.memory_space<vmem>> -> memref<2048xi32, #tpu.memory_space<vmem>>
          %dma_start3A_149 = tpu.memref_slice %arg3[%mul3A_146] : memref<16384xi32, #tpu.memory_space<hbm>> -> memref<2048xi32, #tpu.memory_space<hbm>>
          %dma_start3A_150 = arith.constant 0 : i32
          %dma_start3A_151 = tpu.memref_slice %arg6[%dma_start3A_150] : memref<4096xi32, #tpu.memory_space<vmem>> -> memref<2048xi32, #tpu.memory_space<vmem>>
          %dma_start3A_152 = tpu.memref_slice %arg3[%mul3A_146] : memref<16384xi32, #tpu.memory_space<hbm>> -> memref<2048xi32, #tpu.memory_space<hbm>>
          tpu.enqueue_dma source(%dma_start3A_152 : memref<2048xi32, #tpu.memory_space<hbm>>) target(%dma_start3A_151 : memref<2048xi32, #tpu.memory_space<vmem>>) target_semaphore(%arg9 : memref<!tpu.dma_semaphore, #tpu.memory_space<semaphore_mem>>)
        } else {
        }
        %mul3A_99 = arith.constant 2 : i32
        %mul3A_100 = arith.muli %scan3A_62, %mul3A_99 : i32
        %add3A_101 = arith.constant 1 : i32
        %add3A_102 = arith.addi %mul3A_100, %add3A_101 : i32
        %gt3A_103 = arith.constant 1 : i32
        %gt3A_104 = arith.cmpi sgt, %add3A_102, %gt3A_103 : i32
        %convert_element_type3A_105 = arith.extui %gt3A_104 : i1 to i32
        %cond3A_106 = arith.constant 0 : i32
        %cond3A_107 = arith.cmpi ne, %convert_element_type3A_105, %cond3A_106 : i32
        scf.if %cond3A_107 {
          %sub3A = arith.constant 2 : i32
          %sub3A_144 = arith.subi %add3A_102, %sub3A : i32
          %mul3A_145 = arith.constant 2048 : i32
          %mul3A_146 = arith.muli %sub3A_144, %mul3A_145 : i32
          %dma_wait3A_147 = arith.constant 2048 : i32
          %dma_wait3A_148 = tpu.memref_slice %arg7[%dma_wait3A_147] : memref<4096xf32, #tpu.memory_space<vmem>> -> memref<2048xf32, #tpu.memory_space<vmem>>
          %dma_wait3A_149 = tpu.memref_slice %arg4[%add3A_24, %mul3A_146] : memref<64x16384xf32, #tpu.memory_space<hbm>> -> memref<1x2048xf32, #tpu.memory_space<hbm>>
          %dma_wait3A_150 = tpu.memref_squeeze %dma_wait3A_149 : memref<1x2048xf32, #tpu.memory_space<hbm>> -> memref<2048xf32, #tpu.memory_space<hbm>>
          %dma_wait3A_151 = tpu.memref_slice %arg4[%add3A_24, %mul3A_146] : memref<64x16384xf32, #tpu.memory_space<hbm>> -> memref<1x2048xf32, #tpu.memory_space<hbm>>
          %dma_wait3A_152 = tpu.memref_squeeze %dma_wait3A_151 : memref<1x2048xf32, #tpu.memory_space<hbm>> -> memref<2048xf32, #tpu.memory_space<hbm>>
          %dma_wait3A_153 = arith.constant 2048 : i32
          %dma_wait3A_154 = tpu.memref_slice %arg7[%dma_wait3A_153] : memref<4096xf32, #tpu.memory_space<vmem>> -> memref<2048xf32, #tpu.memory_space<vmem>>
          tpu.wait_dma2 semaphore(%arg12 : memref<!tpu.dma_semaphore, #tpu.memory_space<semaphore_mem>>) src(%dma_wait3A_154 : memref<2048xf32, #tpu.memory_space<vmem>>) dst(%dma_wait3A_152 : memref<2048xf32, #tpu.memory_space<hbm>>)
        } else {
        }
        %mul3A_108 = arith.constant 2048 : i32
        %mul3A_109 = arith.muli %add3A_102, %mul3A_108 : i32
        %dma_wait3A_110 = arith.constant 2048 : i32
        %dma_wait3A_111 = tpu.memref_slice %arg6[%dma_wait3A_110] : memref<4096xi32, #tpu.memory_space<vmem>> -> memref<2048xi32, #tpu.memory_space<vmem>>
        %dma_wait3A_112 = tpu.memref_slice %arg3[%mul3A_109] : memref<16384xi32, #tpu.memory_space<hbm>> -> memref<2048xi32, #tpu.memory_space<hbm>>
        %dma_wait3A_113 = arith.constant 2048 : i32
        %dma_wait3A_114 = tpu.memref_slice %arg6[%dma_wait3A_113] : memref<4096xi32, #tpu.memory_space<vmem>> -> memref<2048xi32, #tpu.memory_space<vmem>>
        %dma_wait3A_115 = tpu.memref_slice %arg3[%mul3A_109] : memref<16384xi32, #tpu.memory_space<hbm>> -> memref<2048xi32, #tpu.memory_space<hbm>>
        tpu.wait_dma2 semaphore(%arg10 : memref<!tpu.dma_semaphore, #tpu.memory_space<semaphore_mem>>) src(%dma_wait3A_115 : memref<2048xi32, #tpu.memory_space<hbm>>) dst(%dma_wait3A_114 : memref<2048xi32, #tpu.memory_space<vmem>>)
        %scan3A_116 = arith.constant 0 : i32
        %scan3A_117 = arith.constant 0 : i32
        %scan3A_118 = arith.constant 32 : i32
        %scan3A_119 = arith.addi %scan3A_117, %scan3A_118 : i32
        %scan3A_120 = arith.constant 1 : i32
        scf.for %scan3A_144 = %scan3A_117 to %scan3A_119 step %scan3A_120  : i32 {
          %mul3A_145 = arith.constant 4 : i32
          %mul3A_146 = arith.muli %scan3A_144, %mul3A_145 : i32
          %add3A_147 = arith.constant 0 : i32
          %add3A_148 = arith.addi %mul3A_146, %add3A_147 : i32
          %mul3A_149 = arith.constant 16 : i32
          %mul3A_150 = arith.muli %add3A_148, %mul3A_149 : i32
          %add3A_151 = arith.constant 2048 : i32
          %add3A_152 = arith.addi %add3A_151, %mul3A_150 : i32
          %get3A = arith.index_cast %add3A_152 : i32 to index
          %get3A_153 = tpu.vector_load %arg6[%get3A] {strides = array<i32>} : memref<4096xi32, #tpu.memory_space<vmem>>, vector<16xi32>,
          %gather3A = tpu.vector_load_idx %arg5[%get3A_153] : memref<100000xf32, #tpu.memory_space<vmem>>[vector<16xi32>], vector<16xf32>,
          %add3A_154 = arith.constant 2048 : i32
          %add3A_155 = arith.addi %add3A_154, %mul3A_150 : i32
          %swap3A = arith.index_cast %add3A_155 : i32 to index
          %swap3A_156 = tpu.vector_load %arg7[%swap3A] {strides = array<i32>} : memref<4096xf32, #tpu.memory_space<vmem>>, vector<16xf32>,
          tpu.vector_store %arg7[%swap3A], %gather3A {strides = array<i32>} : memref<4096xf32, #tpu.memory_space<vmem>>, vector<16xf32>,
          %mul3A_157 = arith.constant 4 : i32
          %mul3A_158 = arith.muli %scan3A_144, %mul3A_157 : i32
          %add3A_159 = arith.constant 1 : i32
          %add3A_160 = arith.addi %mul3A_158, %add3A_159 : i32
          %mul3A_161 = arith.constant 16 : i32
          %mul3A_162 = arith.muli %add3A_160, %mul3A_161 : i32
          %add3A_163 = arith.constant 2048 : i32
          %add3A_164 = arith.addi %add3A_163, %mul3A_162 : i32
          %get3A_165 = arith.index_cast %add3A_164 : i32 to index
          %get3A_166 = tpu.vector_load %arg6[%get3A_165] {strides = array<i32>} : memref<4096xi32, #tpu.memory_space<vmem>>, vector<16xi32>,
          %gather3A_167 = tpu.vector_load_idx %arg5[%get3A_166] : memref<100000xf32, #tpu.memory_space<vmem>>[vector<16xi32>], vector<16xf32>,
          %add3A_168 = arith.constant 2048 : i32
          %add3A_169 = arith.addi %add3A_168, %mul3A_162 : i32
          %swap3A_170 = arith.index_cast %add3A_169 : i32 to index
          %swap3A_171 = tpu.vector_load %arg7[%swap3A_170] {strides = array<i32>} : memref<4096xf32, #tpu.memory_space<vmem>>, vector<16xf32>,
          tpu.vector_store %arg7[%swap3A_170], %gather3A_167 {strides = array<i32>} : memref<4096xf32, #tpu.memory_space<vmem>>, vector<16xf32>,
          %mul3A_172 = arith.constant 4 : i32
          %mul3A_173 = arith.muli %scan3A_144, %mul3A_172 : i32
          %add3A_174 = arith.constant 2 : i32
          %add3A_175 = arith.addi %mul3A_173, %add3A_174 : i32
          %mul3A_176 = arith.constant 16 : i32
          %mul3A_177 = arith.muli %add3A_175, %mul3A_176 : i32
          %add3A_178 = arith.constant 2048 : i32
          %add3A_179 = arith.addi %add3A_178, %mul3A_177 : i32
          %get3A_180 = arith.index_cast %add3A_179 : i32 to index
          %get3A_181 = tpu.vector_load %arg6[%get3A_180] {strides = array<i32>} : memref<4096xi32, #tpu.memory_space<vmem>>, vector<16xi32>,
          %gather3A_182 = tpu.vector_load_idx %arg5[%get3A_181] : memref<100000xf32, #tpu.memory_space<vmem>>[vector<16xi32>], vector<16xf32>,
          %add3A_183 = arith.constant 2048 : i32
          %add3A_184 = arith.addi %add3A_183, %mul3A_177 : i32
          %swap3A_185 = arith.index_cast %add3A_184 : i32 to index
          %swap3A_186 = tpu.vector_load %arg7[%swap3A_185] {strides = array<i32>} : memref<4096xf32, #tpu.memory_space<vmem>>, vector<16xf32>,
          tpu.vector_store %arg7[%swap3A_185], %gather3A_182 {strides = array<i32>} : memref<4096xf32, #tpu.memory_space<vmem>>, vector<16xf32>,
          %mul3A_187 = arith.constant 4 : i32
          %mul3A_188 = arith.muli %scan3A_144, %mul3A_187 : i32
          %add3A_189 = arith.constant 3 : i32
          %add3A_190 = arith.addi %mul3A_188, %add3A_189 : i32
          %mul3A_191 = arith.constant 16 : i32
          %mul3A_192 = arith.muli %add3A_190, %mul3A_191 : i32
          %add3A_193 = arith.constant 2048 : i32
          %add3A_194 = arith.addi %add3A_193, %mul3A_192 : i32
          %get3A_195 = arith.index_cast %add3A_194 : i32 to index
          %get3A_196 = tpu.vector_load %arg6[%get3A_195] {strides = array<i32>} : memref<4096xi32, #tpu.memory_space<vmem>>, vector<16xi32>,
          %gather3A_197 = tpu.vector_load_idx %arg5[%get3A_196] : memref<100000xf32, #tpu.memory_space<vmem>>[vector<16xi32>], vector<16xf32>,
          %add3A_198 = arith.constant 2048 : i32
          %add3A_199 = arith.addi %add3A_198, %mul3A_192 : i32
          %swap3A_200 = arith.index_cast %add3A_199 : i32 to index
          %swap3A_201 = tpu.vector_load %arg7[%swap3A_200] {strides = array<i32>} : memref<4096xf32, #tpu.memory_space<vmem>>, vector<16xf32>,
          tpu.vector_store %arg7[%swap3A_200], %gather3A_197 {strides = array<i32>} : memref<4096xf32, #tpu.memory_space<vmem>>, vector<16xf32>,
        }
        %scan3A_121 = arith.constant 32 : i32
        %mul3A_122 = arith.constant 2048 : i32
        %mul3A_123 = arith.muli %add3A_102, %mul3A_122 : i32
        %dma_start3A_124 = arith.constant 2048 : i32
        %dma_start3A_125 = tpu.memref_slice %arg7[%dma_start3A_124] : memref<4096xf32, #tpu.memory_space<vmem>> -> memref<2048xf32, #tpu.memory_space<vmem>>
        %dma_start3A_126 = tpu.memref_slice %arg4[%add3A_24, %mul3A_123] : memref<64x16384xf32, #tpu.memory_space<hbm>> -> memref<1x2048xf32, #tpu.memory_space<hbm>>
        %dma_start3A_127 = tpu.memref_squeeze %dma_start3A_126 : memref<1x2048xf32, #tpu.memory_space<hbm>> -> memref<2048xf32, #tpu.memory_space<hbm>>
        %dma_start3A_128 = tpu.memref_slice %arg4[%add3A_24, %mul3A_123] : memref<64x16384xf32, #tpu.memory_space<hbm>> -> memref<1x2048xf32, #tpu.memory_space<hbm>>
        %dma_start3A_129 = tpu.memref_squeeze %dma_start3A_128 : memref<1x2048xf32, #tpu.memory_space<hbm>> -> memref<2048xf32, #tpu.memory_space<hbm>>
        %dma_start3A_130 = arith.constant 2048 : i32
        %dma_start3A_131 = tpu.memref_slice %arg7[%dma_start3A_130] : memref<4096xf32, #tpu.memory_space<vmem>> -> memref<2048xf32, #tpu.memory_space<vmem>>
        tpu.enqueue_dma source(%dma_start3A_131 : memref<2048xf32, #tpu.memory_space<vmem>>) target(%dma_start3A_129 : memref<2048xf32, #tpu.memory_space<hbm>>) target_semaphore(%arg12 : memref<!tpu.dma_semaphore, #tpu.memory_space<semaphore_mem>>)
        %add3A_132 = arith.constant 2 : i32
        %add3A_133 = arith.addi %add3A_102, %add3A_132 : i32
        %eq3A_134 = arith.constant 1 : i32
        %eq3A_135 = arith.cmpi eq, %scan3A_21, %eq3A_134 : i32
        %lt3A_136 = arith.constant 8 : i32
        %lt3A_137 = arith.cmpi slt, %add3A_133, %lt3A_136 : i32
        %not3A_138 = arith.constant true
        %not3A_139 = arith.xori %eq3A_135, %not3A_138 : i1
        %or3A_140 = arith.ori %lt3A_137, %not3A_139 : i1
        %convert_element_type3A_141 = arith.extui %or3A_140 : i1 to i32
        %cond3A_142 = arith.constant 0 : i32
        %cond3A_143 = arith.cmpi ne, %convert_element_type3A_141, %cond3A_142 : i32
        scf.if %cond3A_143 {
          %rem3A = arith.constant 8 : i32
          %rem3A_144 = arith.remsi %add3A_133, %rem3A : i32
          %mul3A_145 = arith.constant 2048 : i32
          %mul3A_146 = arith.muli %rem3A_144, %mul3A_145 : i32
          %dma_start3A_147 = arith.constant 2048 : i32
          %dma_start3A_148 = tpu.memref_slice %arg6[%dma_start3A_147] : memref<4096xi32, #tpu.memory_space<vmem>> -> memref<2048xi32, #tpu.memory_space<vmem>>
          %dma_start3A_149 = tpu.memref_slice %arg3[%mul3A_146] : memref<16384xi32, #tpu.memory_space<hbm>> -> memref<2048xi32, #tpu.memory_space<hbm>>
          %dma_start3A_150 = arith.constant 2048 : i32
          %dma_start3A_151 = tpu.memref_slice %arg6[%dma_start3A_150] : memref<4096xi32, #tpu.memory_space<vmem>> -> memref<2048xi32, #tpu.memory_space<vmem>>
          %dma_start3A_152 = tpu.memref_slice %arg3[%mul3A_146] : memref<16384xi32, #tpu.memory_space<hbm>> -> memref<2048xi32, #tpu.memory_space<hbm>>
          tpu.enqueue_dma source(%dma_start3A_152 : memref<2048xi32, #tpu.memory_space<hbm>>) target(%dma_start3A_151 : memref<2048xi32, #tpu.memory_space<vmem>>) target_semaphore(%arg10 : memref<!tpu.dma_semaphore, #tpu.memory_space<semaphore_mem>>)
        } else {
        }
      }
      %scan3A_41 = arith.constant 4 : i32
      %dma_wait3A_42 = arith.constant 0 : i32
      %dma_wait3A_43 = tpu.memref_slice %arg7[%dma_wait3A_42] : memref<4096xf32, #tpu.memory_space<vmem>> -> memref<2048xf32, #tpu.memory_space<vmem>>
      %dma_wait3A_44 = arith.constant 12288 : i32
      %dma_wait3A_45 = tpu.memref_slice %arg4[%add3A_24, %dma_wait3A_44] : memref<64x16384xf32, #tpu.memory_space<hbm>> -> memref<1x2048xf32, #tpu.memory_space<hbm>>
      %dma_wait3A_46 = tpu.memref_squeeze %dma_wait3A_45 : memref<1x2048xf32, #tpu.memory_space<hbm>> -> memref<2048xf32, #tpu.memory_space<hbm>>
      %dma_wait3A_47 = arith.constant 12288 : i32
      %dma_wait3A_48 = tpu.memref_slice %arg4[%add3A_24, %dma_wait3A_47] : memref<64x16384xf32, #tpu.memory_space<hbm>> -> memref<1x2048xf32, #tpu.memory_space<hbm>>
      %dma_wait3A_49 = tpu.memref_squeeze %dma_wait3A_48 : memref<1x2048xf32, #tpu.memory_space<hbm>> -> memref<2048xf32, #tpu.memory_space<hbm>>
      %dma_wait3A_50 = arith.constant 0 : i32
      %dma_wait3A_51 = tpu.memref_slice %arg7[%dma_wait3A_50] : memref<4096xf32, #tpu.memory_space<vmem>> -> memref<2048xf32, #tpu.memory_space<vmem>>
      tpu.wait_dma2 semaphore(%arg11 : memref<!tpu.dma_semaphore, #tpu.memory_space<semaphore_mem>>) src(%dma_wait3A_51 : memref<2048xf32, #tpu.memory_space<vmem>>) dst(%dma_wait3A_49 : memref<2048xf32, #tpu.memory_space<hbm>>)
      %dma_wait3A_52 = arith.constant 2048 : i32
      %dma_wait3A_53 = tpu.memref_slice %arg7[%dma_wait3A_52] : memref<4096xf32, #tpu.memory_space<vmem>> -> memref<2048xf32, #tpu.memory_space<vmem>>
      %dma_wait3A_54 = arith.constant 14336 : i32
      %dma_wait3A_55 = tpu.memref_slice %arg4[%add3A_24, %dma_wait3A_54] : memref<64x16384xf32, #tpu.memory_space<hbm>> -> memref<1x2048xf32, #tpu.memory_space<hbm>>
      %dma_wait3A_56 = tpu.memref_squeeze %dma_wait3A_55 : memref<1x2048xf32, #tpu.memory_space<hbm>> -> memref<2048xf32, #tpu.memory_space<hbm>>
      %dma_wait3A_57 = arith.constant 14336 : i32
      %dma_wait3A_58 = tpu.memref_slice %arg4[%add3A_24, %dma_wait3A_57] : memref<64x16384xf32, #tpu.memory_space<hbm>> -> memref<1x2048xf32, #tpu.memory_space<hbm>>
      %dma_wait3A_59 = tpu.memref_squeeze %dma_wait3A_58 : memref<1x2048xf32, #tpu.memory_space<hbm>> -> memref<2048xf32, #tpu.memory_space<hbm>>
      %dma_wait3A_60 = arith.constant 2048 : i32
      %dma_wait3A_61 = tpu.memref_slice %arg7[%dma_wait3A_60] : memref<4096xf32, #tpu.memory_space<vmem>> -> memref<2048xf32, #tpu.memory_space<vmem>>
      tpu.wait_dma2 semaphore(%arg12 : memref<!tpu.dma_semaphore, #tpu.memory_space<semaphore_mem>>) src(%dma_wait3A_61 : memref<2048xf32, #tpu.memory_space<vmem>>) dst(%dma_wait3A_59 : memref<2048xf32, #tpu.memory_space<hbm>>)
    }
    %scan3A_20 = arith.constant 2 : i32
    return
  }
}

</mosaic_0001>

<sc_bundles>
// kernel: kernel.3.cloned.1.call-start
scs
__scs_entry_jumppad:
0x0: {  	(pc) =	sbr.rel $0x88, $3  }
0x1: {  	(tag) =	ssettag $0x0;
	lr =	simm.s32 $0x1  }
0x2: {  	[smem:$0x3F9F] =	sst lr;
	_ =	strace $0xD0000000  }
0x3: {  	_ = 	snop  }
0x4: {  	_ = 	snop  }
0x5: {  	_ = 	snop  }
0x6: {  	_ = 	snop  }
0x7: {  	_ = 	snop  }
__scs_overlays_trampoline_lowered:
0x8: {  	[smem:$0x3FAE] =	sst s0  }
0x9: {  	[smem:$0x3FAF] =	sst s1  }
0xa: {  	[smem:$0x3FB0] =	sst s2  }
0xb: {  	[smem:$0x3FB1] =	sst s3  }
0xc: {  	[smem:$0x3FB2] =	sst s4  }
0xd: {  	[smem:$0x3FB3] =	sst s5  }
0xe: {  	[smem:$0x3FB4] =	sst s6  }
0xf: {  	[smem:$0x3FB5] =	sst s7  }
0x10: {  	[smem:$0x3FB6] =	sst s8  }
0x11: {  	[smem:$0x3FB7] =	sst s9;
	s0 =	simm.s32 @!p0 $0x0  }
0x12: {  	s1 =	sld [smem:$0x3F9D];
	s0 =	simm.s32 @p0 $0x1  }
0x13: {  	[smem:$0x3FB8] =	sst s0;
	s0 =	simm.s32 @!p1 $0x0  }
0x14: {  	s2 =	sld [smem:$0x3F9C];
	s0 =	simm.s32 @p1 $0x1  }
0x15: {  	[smem:$0x3FB9] =	sst s0;
	s0 =	simm.s32 @!p2 $0x0  }
0x16: {  	s3 =	sld [smem:$0x3FDB];
	s0 =	simm.s32 @p2 $0x1  }
0x17: {  	s4 =	simm.s32 $0x1BF5;
	[smem:$0x3FBB] =	sst s0  }
0x18: {  	s0 =	sld [smem:$0x3F9E];
	_ =	swait.ge [sflag:s4], $0x0  }
0x19: {  	s7 =	sld [smem:$0x3F9F]  }
0x1a: {  	s8 =	sadd.s32 $0xFFFFE003, lr  }
0x1b: {  	s9 =	sadd.s32 $0xFFFFFEF7, lr;
	s5 =	simm.s32 $0xFFFFFFFF;
	p2 =	slt.u32 s8, $0xFFFFF086  }
0x1c: {  	p1 =	slt.u32 s9, $0xF7A;
	s5 =	simm.s32 @!p2 $0x0  }
0x1d: {  	s5 =	simm.s32 @p1 $0x1;
	p0 =	seq.s32 s7, s2  }
0x1e: {  	s7 =	smul.u32 @!p0 $0xF7A, s2;
	p2 =	seq.s32 @!p0 s5, $0x0  }
0x1f: {  	s9 =	smul.u32 $0xF7A, s1;
	s8 =	simm.s32 @!p0 $0x1BF5;
	p2 =	por !p2, p0  }
0x20: {  	[sflag:s8] =	ssyncset.s32 @!p0 $0xFFFFF086;
	s6 =	sadd.s32 @!p0 s3, s7;
	s7 =	simm.s32 @!p0 $0x108  }
0x21: {  	s3 =	sadd.s32 s3, s9;
	s6 =	sadd.s32 @!p0 $0x88, s6;
	s7 =	simm.s32 @p2 $0x1082  }
0x22: {  	[simem:s7], [sflag:s8] =	dma.local @!p0 [hbm:s6], $0xF7A  }
0x23: {  	s9 =	sor.u32 $0xD0000000, s2;
	s6 =	simm.s32 $0x108;
	_ =	swait.ge @!p0 [sflag:s8], $0x0  }
0x24: {  	s3 =	sadd.s32 $0x88, s3;
	s6 =	simm.s32 @!p1 $0x1082;
	[sflag:s4] =	ssyncset.s32 $0xFFFFF086  }
0x25: {  	[simem:s6], [sflag:s4] =	dma.local [hbm:s3], $0xF7A  }
0x26: {  	[smem:$0x3F9F] =	sst s1;
	(tag) =	ssettag s2;
	_ =	strace s9  }
0x27: {  	s1 =	sld [smem:$0x3FAF]  }
0x28: {  	s2 =	sld [smem:$0x3FB0]  }
0x29: {  	s4 =	sld [smem:$0x3FB2]  }
0x2a: {  	p0 =	seq.s32 s5, $0x0;
	s5 =	sld [smem:$0x3FB3]  }
0x2b: {  	s6 =	sld [smem:$0x3FB4]  }
0x2c: {  	s7 =	sld [smem:$0x3FB5]  }
0x2d: {  	s3 =	simm.s32 $0x108;
	s8 =	sld [smem:$0x3FB6]  }
0x2e: {  	s3 =	simm.s32 @!p0 $0x1082;
	s9 =	sld [smem:$0x3FB7]  }
0x2f: {  	lr =	sadd.s32 s0, s3;
	s0 =	sld [smem:$0x3FAE]  }
0x30: {  	s3 =	sld [smem:$0x3FB1]  }
0x31: {  	[smem:$0x3FBA] =	sst s10  }
0x32: {  	s10 =	sld [smem:$0x3FB8];
	_ =	sdelay $0x3  }
0x33: {  	p0 =	seq.s32 s10, $0x1;
	s10 =	sld [smem:$0x3FBA];
	_ =	sdelay $0x3  }
0x34: {  	[smem:$0x3FBA] =	sst s10  }
0x35: {  	s10 =	sld [smem:$0x3FB9];
	_ =	sdelay $0x3  }
0x36: {  	p1 =	seq.s32 s10, $0x1;
	s10 =	sld [smem:$0x3FBA];
	_ =	sdelay $0x3  }
0x37: {  	[smem:$0x3FBA] =	sst s10  }
0x38: {  	s10 =	sld [smem:$0x3FBB]  }
0x39: {  	_ = 	snop;
	(pc) =	sbr.ind lr, $3  }
0x3a: {  	_ = 	snop  }
0x3b: {  	_ = 	snop  }
0x3c: {  	p2 =	seq.s32 s10, $0x1;
	s10 =	sld [smem:$0x3FBA]  }
0x3d: {  	_ =	shalt  }
0x3e: {  	_ =	shalt  }
0x3f: {  	_ =	shalt  }
0x40: {  	_ =	shalt  }
0x41: {  	_ =	shalt  }
0x42: {  	_ =	shalt  }
0x43: {  	_ =	shalt  }
0x44: {  	_ =	shalt  }
0x45: {  	_ =	shalt  }
0x46: {  	_ =	shalt  }
0x47: {  	_ =	shalt  }
0x48: {  	_ =	shalt  }
0x49: {  	_ =	shalt  }
0x4a: {  	_ =	shalt  }
0x4b: {  	_ =	shalt  }
0x4c: {  	_ =	shalt  }
0x4d: {  	_ =	shalt  }
0x4e: {  	_ =	shalt  }
0x4f: {  	_ =	shalt  }
0x50: {  	_ =	shalt  }
0x51: {  	_ =	shalt  }
0x52: {  	_ =	shalt  }
0x53: {  	_ =	shalt  }
0x54: {  	_ =	shalt  }
0x55: {  	_ =	shalt  }
0x56: {  	_ =	shalt  }
0x57: {  	_ =	shalt  }
0x58: {  	_ =	shalt  }
0x59: {  	_ =	shalt  }
0x5a: {  	_ =	shalt  }
0x5b: {  	_ =	shalt  }
0x5c: {  	_ =	shalt  }
0x5d: {  	_ =	shalt  }
0x5e: {  	_ =	shalt  }
0x5f: {  	_ =	shalt  }
0x60: {  	_ =	shalt  }
0x61: {  	_ =	shalt  }
0x62: {  	_ =	shalt  }
0x63: {  	_ =	shalt  }
0x64: {  	_ =	shalt  }
0x65: {  	_ =	shalt  }
0x66: {  	_ =	shalt  }
0x67: {  	_ =	shalt  }
0x68: {  	_ =	shalt  }
0x69: {  	_ =	shalt  }
0x6a: {  	_ =	shalt  }
0x6b: {  	_ =	shalt  }
0x6c: {  	_ =	shalt  }
0x6d: {  	_ =	shalt  }
0x6e: {  	_ =	shalt  }
0x6f: {  	_ =	shalt  }
0x70: {  	_ =	shalt  }
0x71: {  	_ =	shalt  }
0x72: {  	_ =	shalt  }
0x73: {  	_ =	shalt  }
0x74: {  	_ =	shalt  }
0x75: {  	_ =	shalt  }
0x76: {  	_ =	shalt  }
0x77: {  	_ =	shalt  }
0x78: {  	_ =	shalt  }
0x79: {  	_ =	shalt  }
0x7a: {  	_ =	shalt  }
0x7b: {  	_ =	shalt  }
0x7c: {  	_ =	shalt  }
0x7d: {  	_ =	shalt  }
0x7e: {  	_ =	shalt  }
0x7f: {  	_ =	shalt  }
0x80: {  	_ =	shalt  }
0x81: {  	_ =	shalt  }
0x82: {  	_ =	shalt  }
0x83: {  	_ =	shalt  }
0x84: {  	_ =	shalt  }
0x85: {  	_ =	shalt  }
0x86: {  	_ =	shalt  }
0x87: {  	_ =	shalt  }
.Lfunc_end0:
.L_simem_size_0:
called_computation_lowered:
.L_overlay_start_0:
0x88: {  	s2 =	sld [smem:$0x3FD9]  }
0x89: {  	s3 =	sld [smem:$0x3FFE];
	_ =	sdelay $0x1  }
0x8a: {  	s1 =	srdreg.scid  }
0x8b: {  	s0 =	sand.u32 $0x1, s1  }
0x8c: {  	s17 =	sshll.u32 s0, $0xA;
	s2 =	sadd.s32 s3, s2  }
0x8d: {  	s2 =	sadd.s32 s2, s17  }
0x8e: {  	[smem:$0x3FC6] =	sst s2  }
0x8f: {  	_ = 	snop  }
0x90: {  	s2 =	sld [smem:$0x3FC8]  }
0x91: {  	s18 =	sld [smem:$0x3FD0];
	(tm) =	ssettm $0x1  }
0x92: {  	s4 =	sld [smem:$0x3FFB];
	_ =	sdelay $0x3  }
0x93: {  	_ =	strace s4  }
0x94: {  	s4 =	sld [smem:$0x3FFC];
	_ =	sdelay $0x3  }
0x95: {  	_ =	strace s4  }
0x96: {  	s4 =	sld [smem:$0x3FFD];
	_ =	sdelay $0x3  }
0x97: {  	_ =	strace s4  }
0x98: {  	_ =	strace $0x8FFFFFFF  }
0x99: {  	s19 =	sld [smem:$0x3FDB];
	_ =	sdelay $0x1  }
0x9a: {  	s5 =	simm.s32 $_scs_section_size  }
0x9b: {  	s6 =	simm.s32 $_size__tile_overlayer_lowered;
	s7 =	simm.s32 $_tile_overlayer_lowered  }
0x9c: {  	s22 =	simm.s32 $0x1BFF;
	s21 =	sshll.u32 s7, $0x1;
	s4 =	sadd.s32 s5, s19  }
0x9d: {  	s8 =	simm.s32 $0x0;
	s20 =	sshll.u32 s6, $0x1;
	s6 =	sadd.s32 s21, s4  }
0x9e: {  	[timem:s8], [sflag:s22] =	dma.local [hbm:s6], s20  }
0x9f: {  	_ =	swait.ge [sflag:s22], s20  }
0xa0: {  	s5 =	ssub.s32 $0x0, s20;
	[sflag:s22] =	ssyncset.done $0x0  }
0xa1: {  	[sflag:s22] =	ssyncadd.s32 s5;
	_ =	sdelay $0x1  }
0xa2: {  	s23 =	simm.s32 $0x1B8B  }
0xa3: {  	_ =	swait.ge [sflag:s23], $0x1  }
0xa4: {  	[sflag:s23] =	ssyncset.done $0x0  }
0xa5: {  	s25 =	simm.s32 $0x1B8E;
	s24 =	sld [smem:$0x3FFE];
	[sflag:s23] =	ssyncadd.s32 $0xFFFFFFFF  }
0xa6: {  	s26 =	simm.s32 $execute0_lowered;
	[smem:$0x3FD2] =	sst s25  }
0xa7: {  	s6 =	sshll.u32 s26, $0x1;
	_ =	strace $0x80000046;
	[dreg:$0x1] =	wrdreg $0xFFFFFFFF  }
0xa8: {  	s28 =	simm.s32 $_size_execute0_lowered;
	s4 =	sadd.s32 s4, s6;
	[dreg:$0x0] =	wrdreg $0x0  }
0xa9: {  	s6 =	sshll.u32 s28, $0x1;
	[dreg:$0x2] =	wrdreg s4  }
0xaa: {  	[dreg:$0x3] =	wrdreg s6  }
0xab: {  	[dreg:$0x4] =	wrdreg $0xC0  }
0xac: {  	_ =	task [dreg:s8], $0x5FFFF  }
0xad: {  	[dreg:$0x1] =	wrdreg $0xFFFFFFFF  }
0xae: {  	[dreg:$0x0] =	wrdreg $0x60  }
0xaf: {  	[dreg:$0x2] =	wrdreg s24  }
0xb0: {  	[dreg:$0x3] =	wrdreg s2  }
0xb1: {  	[dreg:$0x4] =	wrdreg s18  }
0xb2: {  	[dreg:$0x5] =	wrdreg $0x9  }
0xb3: {  	_ =	task.clear_ibuf [dreg:s8], $0x6FFFF;
	_ =	strace $0x90000046  }
0xb4: {  	s29 =	simm.s32 $0x9;
	_ =	strace $0x80000048  }
0xb5: {  	_ =	swait.ge [sflag:s29], $0x1  }
0xb6: {  	[sflag:s29] =	ssyncadd.s32 $0xFFFFFFFF  }
0xb7: {  	_ =	strace $0x90000048  }
0xb8: {  	_ =	sfence  }
0xb9: {  	s30 =	sld [smem:$0x0];
	_ =	sdelay $0x2  }
0xba: {  	s31 =	sshll.u32 s1, $0xD;
	s1 =	sshrl.u32 s1, $0x2  }
0xbb: {  	s3 =	sand.u32 $0x4000, s31;
	s1 =	sadd.s32 s1, s30  }
0xbc: {  	s0 =	sor.u32 s3, s0;
	s1 =	sshll.u32 s1, $0x11  }
0xbd: {  	s0 =	sor.u32 s1, s0  }
0xbe: {  	s0 =	sadd.s32 $0x8F2B, s0  }
0xbf: {  	[sflag:s0] =	ssyncadd.remote.s32 $0x1  }
0xc0: {  	_ =	sfence.sel $0xFFFF  }
0xc1: {  	[dreg:$0x0] =	wrdreg $0xFFFFFFFF;
	(pc) =	sbr.abs _section_cstart, $3  }
0xc2: {  	[dreg:$0x1] =	wrdreg $0xFFFFFFFF  }
0xc3: {  	_ =	task.clear_ibuf [dreg:s8], $0x2FFFF;
	_ =	strace $0x9FFFFFFF  }
0xc4: {  	(tm) =	ssettm $0x7FFFFFFF  }
0xc5: {  	_ =	shalt  }
tec
execute0_lowered:
.L_overlay_start_1:
0x0: {  	(tag) =	ssettag $0x1  }
0x1: {  	s4 =	rddreg [dreg:$0x0]  }
0x2: {  	s1 =	rddreg [dreg:$0x1]  }
0x3: {  	s2 =	rddreg [dreg:$0x2]  }
0x4: {  	s5 =	srdreg.scid;
	s0 =	rddreg [dreg:$0x3]  }
0x5: {  	s3 =	simm.s32 $0x0;
	s10 =	simm.s32 $0x18EA0;
	s11 =	simm.s32 $0x1  }
0x6: {  	s12 =	simm.s32 $0x2;
	s13 =	simm.s32 $0x196A0;
	s14 =	simm.s32 $0x3  }
0x7: {  	s15 =	simm.s32 $0x19EA0;
	s16 =	simm.s32 $0x4;
	s17 =	simm.s32 $0x5  }
0x8: {  	s18 =	simm.s32 $0x0;
	s7 =	sand.u32 $0x1, s5;
	[smem:$0x7FF] =	sst s3  }
0x9: {  	s5 =	sadd.s32 $0x400, s4;
	s4 =	stileid.u32;
	s6 =	ssub.s32 $0x2, s7  }
0xa: {  	s9 =	sshll.u32 s4, $0x2;
	s7 =	sshll.u32 s7, $0x1;
	s8 =	sshrl.u32 s6, $0x1  }
0xb: {  	_ =	strace $0x80000047;
	s7 =	sor.u32 s7, s9;
	s8 =	ssub.s32 s6, s8  }
0xc: {  	s9 =	simm.s32 $0x186A0;
	s6 =	sadd.s32 $0x100, s1;
	s8 =	smax.u32 s8, $0x1  }
.LBB2_1:
0xd: {  	[tilespmem:s9], [sflag:$0x2] =	stream.linear.gather [hbm4b:s1+s3], $0x800, $0x38;
	[tilespmem:$0x1A6A0] =	vst v63  }
0xe: {  	p1 =	por $0x1, $0x1;
	s19 =	simm.s32 $0x0  }
0xf: {  	[tilespmem:s10], [sflag:$0x3] =	stream.linear.gather [hbm4b:s6+s3], $0x800, $0x38;
	[tilespmem:$0x1A6A0] =	vst v63  }
.LBB2_2:
0x10: {  	s20 =	sor.u32 s7, s19  }
0x11: {  	s19 =	smul.u32 $0x30D4, s20;
	_ =	sdelay $0x1  }
0x12: {  	s21 =	sadd.s32 s5, s19;
	s19 =	simm.s32 $0x0  }
0x13: {  	[tilespmem:s19], [sflag:$0x1] =	stream.linear.gather [hbm4b:s21+s19], $0x186A0, $0x38;
	[tilespmem:$0x1A6A0] =	vst v63  }
0x14: {  	_ =	swait.ge [sflag:s11], $0x186A0  }
0x15: {  	s20 =	sshll.u32 s20, $0xE;
	[sflag:s11] =	ssyncset.done $0x0  }
0x16: {  	p0 =	por p1, p1;
	s21 =	sor.u32 $0x800, s20;
	[sflag:s11] =	ssyncadd.s32 $0xFFFE7960  }
.LBB2_3:
0x17: {  	p1 =	seq.s32 s19, $0x0  }
0x18: {  	s22 =	simm.s32 @!p1 $0x4  }
0x19: {  	_ =	swait.ge @!p1 [sflag:s22], $0x800  }
0x1a: {  	[sflag:s22] =	ssyncset.done @!p1 $0x0  }
0x1b: {  	[sflag:s22] =	ssyncadd.s32 @!p1 $0xFFFFF800  }
0x1c: {  	_ =	swait.ge [sflag:s12], $0x800  }
0x1d: {  	[sflag:s12] =	ssyncset.done $0x0  }
0x1e: {  	s23 =	simm.s32 $0x0;
	[sflag:s12] =	ssyncadd.s32 $0xFFFFF800  }
0x1f: {  	v0 =	vld [tilespmem:s23+$0x186A0];
	_ =	sdelay $0x5  }
0x20: {  	v1 =	vld [tilespmem:s23+$0x186B0];
	_ =	sdelay $0x1  }
0x21: {  	v0 =	vld.idx.msk [tilespmem:v0+s3+$0x0], $0xffff;
	_ =	sdelay $0x4  }
0x22: {  	v2 =	vld [tilespmem:s23+$0x186C0];
	[tilespmem:s23+$0x196A0] =	vst v0  }
0x23: {  	v0 =	vld.idx.msk [tilespmem:v1+s3+$0x0], $0xffff;
	_ =	sdelay $0x4  }
0x24: {  	[tilespmem:s23+$0x196B0] =	vst v0;
	v0 =	vld [tilespmem:s23+$0x186D0];
	_ =	sdelay $0x1  }
0x25: {  	v1 =	vld.idx.msk [tilespmem:v2+s3+$0x0], $0xffff;
	_ =	sdelay $0x3  }
0x26: {  	s25 =	simm.s32 $0x40;
	s24 =	simm.s32 $0x200;
	s22 =	sshll.u32 s19, $0x9  }
.LBB2_4:
0x27: {  	p1 =	sne.s32 s24, $0x1F00;
	v2 =	vld [tilespmem:s25+$0x186A0];
	[tilespmem:s23+$0x196C0] =	vst v1  }
0x28: {  	v0 =	vld.idx.msk [tilespmem:v0+s3+$0x0], $0xffff;
	_ =	sdelay $0x5  }
0x29: {  	v1 =	vld [tilespmem:s25+$0x186B0];
	[tilespmem:s23+$0x196D0] =	vst v0;
	s23 =	smov.u32 s25  }
0x2a: {  	v0 =	vld.idx.msk [tilespmem:v2+s3+$0x0], $0xffff;
	_ =	sdelay $0x5  }
0x2b: {  	[tilespmem:s23+$0x196A0] =	vst v0;
	v2 =	vld [tilespmem:s23+$0x186C0]  }
0x2c: {  	v0 =	vld.idx.msk [tilespmem:v1+s3+$0x0], $0xffff;
	_ =	sdelay $0x5  }
0x2d: {  	[tilespmem:s23+$0x196B0] =	vst v0;
	v0 =	vld [tilespmem:s23+$0x186D0]  }
0x2e: {  	v1 =	vld.idx.msk [tilespmem:v2+s3+$0x0], $0xffff  }
.Ltmp0:
0x2f: {  	(pc) =	sbr.rel @p1 .LBB2_4-.Ltmp0, $2  }
0x30: {  	_ =	sdelay $0x2  }
0x31: {  	s25 =	sshra.s32 s24, $0x2;
	s24 =	sadd.s32 $0x100, s24  }
0x32: {  	_ =	sdelay $0x1  }
0x33: {  	v2 =	vld [tilespmem:s25+$0x186A0]  }
0x34: {  	[tilespmem:s23+$0x196C0] =	vst v1  }
0x35: {  	v0 =	vld.idx.msk [tilespmem:v0+s3+$0x0], $0xffff;
	_ =	sdelay $0x3  }
0x36: {  	v1 =	vld [tilespmem:s25+$0x186B0]  }
0x37: {  	[tilespmem:s23+$0x196D0] =	vst v0  }
0x38: {  	v0 =	vld.idx.msk [tilespmem:v2+s3+$0x0], $0xffff;
	_ =	sdelay $0x4  }
0x39: {  	[tilespmem:s25+$0x196A0] =	vst v0;
	v0 =	vld [tilespmem:s25+$0x186C0]  }
0x3a: {  	v1 =	vld.idx.msk [tilespmem:v1+s3+$0x0], $0xffff;
	_ =	sdelay $0x4  }
0x3b: {  	[tilespmem:s25+$0x196B0] =	vst v1;
	v1 =	vld [tilespmem:s25+$0x186D0];
	_ =	sdelay $0x1  }
0x3c: {  	v0 =	vld.idx.msk [tilespmem:v0+s3+$0x0], $0xffff;
	_ =	sdelay $0x4  }
0x3d: {  	[tilespmem:s25+$0x196C0] =	vst v0  }
0x3e: {  	v0 =	vld.idx.msk [tilespmem:v1+s3+$0x0], $0xffff;
	_ =	sdelay $0x1  }
0x3f: {  	s23 =	sshll.u32 s19, $0xC  }
0x40: {  	s24 =	sor.u32 s20, s23  }
0x41: {  	p1 =	sne.s32 s19, $0x3;
	s24 =	sshrl.u32 s24, $0x3  }
0x42: {  	p1 =	por p0, p1;
	s24 =	sadd.s32 s2, s24;
	[tilespmem:s25+$0x196D0] =	vst v0  }
0x43: {  	[hbm4b:s24+s3] =	stream.linear.scatter [tilespmem:s13], [sflag:$0x4], $0x800, $0x38;
	[tilespmem:$0x1A6A0] =	vst v63  }
0x44: {  	s24 =	sadd.s32 @p1 $0x200, s22  }
0x45: {  	p2 =	seq.s32 @p1 s19, $0x0;
	s26 =	simm.s32 @p1 $0x186A0;
	s24 =	sand.u32 @p1 $0x600, s24  }
0x46: {  	p2 =	por !p1, !p2;
	s25 =	simm.s32 @p1 $0x0;
	s24 =	sadd.s32 @p1 s1, s24  }
0x47: {  	[tilespmem:s26], [sflag:$0x2] =	stream.linear.gather @p1 [hbm4b:s24+s25], $0x800, $0x38;
	[tilespmem:$0x1A6A0] =	vst v63  }
0x48: {  	_ =	swait.ge @p2 [sflag:s17], $0x800  }
0x49: {  	[sflag:s17] =	ssyncset.done @p2 $0x0  }
0x4a: {  	[sflag:s17] =	ssyncadd.s32 @p2 $0xFFFFF800  }
0x4b: {  	_ =	swait.ge [sflag:s14], $0x800  }
0x4c: {  	[sflag:s14] =	ssyncset.done $0x0  }
0x4d: {  	s24 =	simm.s32 $0x0;
	[sflag:s14] =	ssyncadd.s32 $0xFFFFF800  }
0x4e: {  	v0 =	vld [tilespmem:s24+$0x18EA0];
	_ =	sdelay $0x5  }
0x4f: {  	v1 =	vld [tilespmem:s24+$0x18EB0];
	_ =	sdelay $0x1  }
0x50: {  	v0 =	vld.idx.msk [tilespmem:v0+s3+$0x0], $0xffff;
	_ =	sdelay $0x4  }
0x51: {  	v2 =	vld [tilespmem:s24+$0x18EC0];
	[tilespmem:s24+$0x19EA0] =	vst v0  }
0x52: {  	v0 =	vld.idx.msk [tilespmem:v1+s3+$0x0], $0xffff;
	_ =	sdelay $0x4  }
0x53: {  	[tilespmem:s24+$0x19EB0] =	vst v0;
	v0 =	vld [tilespmem:s24+$0x18ED0];
	_ =	sdelay $0x1  }
0x54: {  	v1 =	vld.idx.msk [tilespmem:v2+s3+$0x0], $0xffff;
	_ =	sdelay $0x3  }
0x55: {  	s26 =	simm.s32 $0x40;
	s25 =	simm.s32 $0x200  }
.LBB2_6:
0x56: {  	p2 =	sne.s32 s25, $0x1F00;
	v2 =	vld [tilespmem:s26+$0x18EA0];
	[tilespmem:s24+$0x19EC0] =	vst v1  }
0x57: {  	v0 =	vld.idx.msk [tilespmem:v0+s3+$0x0], $0xffff;
	_ =	sdelay $0x5  }
0x58: {  	v1 =	vld [tilespmem:s26+$0x18EB0];
	[tilespmem:s24+$0x19ED0] =	vst v0;
	s24 =	smov.u32 s26  }
0x59: {  	v0 =	vld.idx.msk [tilespmem:v2+s3+$0x0], $0xffff;
	_ =	sdelay $0x5  }
0x5a: {  	[tilespmem:s24+$0x19EA0] =	vst v0;
	v2 =	vld [tilespmem:s24+$0x18EC0]  }
0x5b: {  	v0 =	vld.idx.msk [tilespmem:v1+s3+$0x0], $0xffff;
	_ =	sdelay $0x5  }
0x5c: {  	[tilespmem:s24+$0x19EB0] =	vst v0;
	v0 =	vld [tilespmem:s24+$0x18ED0]  }
0x5d: {  	v1 =	vld.idx.msk [tilespmem:v2+s3+$0x0], $0xffff  }
.Ltmp1:
0x5e: {  	(pc) =	sbr.rel @p2 .LBB2_6-.Ltmp1, $2  }
0x5f: {  	_ =	sdelay $0x2  }
0x60: {  	s26 =	sshra.s32 s25, $0x2;
	s25 =	sadd.s32 $0x100, s25  }
0x61: {  	_ =	sdelay $0x1  }
0x62: {  	v2 =	vld [tilespmem:s26+$0x18EA0]  }
0x63: {  	[tilespmem:s24+$0x19EC0] =	vst v1  }
0x64: {  	v0 =	vld.idx.msk [tilespmem:v0+s3+$0x0], $0xffff;
	_ =	sdelay $0x3  }
0x65: {  	v1 =	vld [tilespmem:s26+$0x18EB0]  }
0x66: {  	[tilespmem:s24+$0x19ED0] =	vst v0  }
0x67: {  	v0 =	vld.idx.msk [tilespmem:v2+s3+$0x0], $0xffff;
	_ =	sdelay $0x3  }
0x68: {  	v62 =	vld [tilespmem:s26+$0x18EC0]  }
0x69: {  	[tilespmem:s26+$0x19EA0] =	vst v0  }
0x6a: {  	v1 =	vld.idx.msk [tilespmem:v1+s3+$0x0], $0xffff;
	_ =	sdelay $0x3  }
0x6b: {  	v63 =	vld [tilespmem:s26+$0x18ED0]  }
0x6c: {  	[tilespmem:s26+$0x19EB0] =	vst v1  }
0x6d: {  	v0 =	vld.idx.msk [tilespmem:v62+s3+$0x0], $0xffff;
	_ =	sdelay $0x4  }
0x6e: {  	[tilespmem:s26+$0x19EC0] =	vst v0  }
0x6f: {  	v0 =	vld.idx.msk [tilespmem:v63+s3+$0x0], $0xffff;
	_ =	sdelay $0x2  }
0x70: {  	s23 =	sor.u32 s21, s23  }
0x71: {  	s22 =	sadd.s32 @p1 $0x300, s22;
	s19 =	sadd.s32 @p1 $0x1, s19;
	s23 =	sshrl.u32 s23, $0x3  }
0x72: {  	s22 =	sand.u32 @p1 $0x700, s22;
	p2 =	sne.s32 @p1 s19, $0x4;
	s23 =	sadd.s32 s2, s23;
	[tilespmem:s26+$0x19ED0] =	vst v0  }
0x73: {  	[hbm4b:s23+s3] =	stream.linear.scatter [tilespmem:s15], [sflag:$0x5], $0x800, $0x38;
	[tilespmem:$0x1A6A0] =	vst v63  }
0x74: {  	s22 =	sadd.s32 @p1 s1, s22;
	s24 =	simm.s32 @p1 $0x18EA0;
	s23 =	simm.s32 @p1 $0x0  }
0x75: {  	[tilespmem:s24], [sflag:$0x3] =	stream.linear.gather @p1 [hbm4b:s22+s23], $0x800, $0x38;
	[tilespmem:$0x1A6A0] =	vst v63  }
0x76: {  	p1 =	por !p1, !p2  }
.Ltmp2:
0x77: {  	_ = 	snop;
	(pc) =	sbr.rel @!p1 .LBB2_3-.Ltmp2, $1  }
0x78: {  	_ =	sdelay $0x3  }
0x79: {  	_ =	swait.ge [sflag:s16], $0x800  }
.Ltmp3:
0x7a: {  	[sflag:s16] =	ssyncset.done $0x0;
	(pc) =	sbr.rel @p0 .LBB2_2-.Ltmp3, $4  }
0x7b: {  	[sflag:s16] =	ssyncadd.s32 $0xFFFFF800  }
0x7c: {  	_ =	swait.ge [sflag:s17], $0x800  }
0x7d: {  	[sflag:s17] =	ssyncset.done $0x0  }
0x7e: {  	s19 =	simm.s32 $0x1;
	p1 =	por $0x0, $0x0;
	[sflag:s17] =	ssyncadd.s32 $0xFFFFF800  }
0x7f: {  	s18 =	sadd.s32 $0x1, s18  }
0x80: {  	p0 =	sne.s32 s18, s8  }
.Ltmp4:
0x81: {  	_ = 	snop;
	(pc) =	sbr.rel @p0 .LBB2_1-.Ltmp4, $1  }
0x82: {  	_ =	sdelay $0x3  }
0x83: {  	_ =	sfence.sel $0x180000  }
0x84: {  	[bflag:$0x0] =	sbarrier.arrive $0xFFFF  }
0x85: {  	p0 =	sne.s32 s4, $0x0;
	_ =	strace $0x90000047  }
0x86: {  	s0 =	sadd.s32 @!p0 $0x100000, s0;
	[bflag:$0x2] =	sbarrier.arrive $0xFFFF  }
0x87: {  	[sflag:s0] =	ssyncadd.tile.s32 @!p0 $0x1;
	_ =	shalt  }
.Lfunc_end2:
_tile_overlayer_lowered:
.L_overlay_start_2:
0x88: {  	(tag) =	ssettag $0x2  }
0x89: {  	s0 =	rddreg [dreg:$0x0];
	s2 =	stileid.u32  }
0x8a: {  	s1 =	rddreg [dreg:$0x1];
	p0 =	sne.s32 s2, $0x0  }
0x8b: {  	s3 =	rddreg [dreg:$0x2];
	[bflag:$0x3] =	sbarrier.arrive $0xFFFF;
	s2 =	simm.s32 @!p0 $0x1C06  }
0x8c: {  	[timem:s3], [sflag:s2] =	dma.local @!p0 [hbm:s0], s1  }
0x8d: {  	s0 =	simm.s32 @!p0 $0x6  }
0x8e: {  	_ =	swait.ge @!p0 [sflag:s0], s1  }
0x8f: {  	s1 =	ssub.s32 @!p0 $0x0, s1;
	[sflag:s0] =	ssyncset.done @!p0 $0x0  }
0x90: {  	[sflag:s0] =	ssyncadd.s32 @!p0 s1  }
0x91: {  	[bflag:$0x3] =	sbarrier.arrive $0xFFFF  }
0x92: {  	_ =	shalt  }

</sc_bundles>
